<compile_context>
chip_gen: v7x
topology: tpu7x:2x2x1
jax: 0.10.2.dev20260603
libtpu: 0.0.44.dev20260713+nightly
codegen_flags: <defaults>
</compile_context>

<pallas_src>
import jax
import jax.numpy as jnp
from jax import lax
from jax.experimental import pallas as pl
from jax.experimental.pallas import tpu as pltpu
from jax.experimental.pallas import tpu_sc as plsc

BATCH = 16384
EDIM = 64
PDIM = 2 * EDIM
ANUM = 32
NUM_CORES = 2
NUM_SUBCORES = 16
NW = NUM_CORES * NUM_SUBCORES
BPW = BATCH // NW
CHUNK = 256
NCH = BPW // CHUNK


def _sc_gather_body(uid_hbm, iid_hbm, c_hbm, u_out, i_out,
                    uidx_v, iidx_v, buf0, buf1, sem0, sem1):
    c = lax.axis_index("c")
    s = lax.axis_index("s")
    wid = s * NUM_CORES + c
    base = wid * BPW
    pltpu.sync_copy(uid_hbm.at[pl.ds(base, BPW)], uidx_v)
    pltpu.sync_copy(iid_hbm.at[pl.ds(base, BPW)], iidx_v)

    jobs = []
    for idx_v, out in ((uidx_v, u_out), (iidx_v, i_out)):
        for ch in range(NCH):
            jobs.append((idx_v, out, ch * CHUNK))
    bufs = (buf0, buf1)
    sems = (sem0, sem1)
    copies = [None, None]

    def fire(k):
        idx_v, _, off = jobs[k]
        nb = k % 2
        copies[nb] = pltpu.async_copy(
            c_hbm.at[idx_v.at[pl.ds(off, CHUNK)]], bufs[nb], sems[nb])

    fire(0)
    for k in range(len(jobs)):
        if k + 1 < len(jobs):
            fire(k + 1)
        _, out, off = jobs[k]
        copies[k % 2].wait()
        pltpu.sync_copy(bufs[k % 2], out.at[pl.ds(base + off, CHUNK)])


def _sc_gather(user_id, item_id, c_tab):
    mesh = plsc.VectorSubcoreMesh(core_axis_name="c", subcore_axis_name="s")
    rows = jax.ShapeDtypeStruct((BATCH, PDIM), jnp.float32)
    fn = pl.kernel(
        _sc_gather_body,
        out_type=(rows, rows),
        mesh=mesh,
        scratch_types=(
            pltpu.VMEM((BPW,), jnp.int32),
            pltpu.VMEM((BPW,), jnp.int32),
            pltpu.VMEM((CHUNK, PDIM), jnp.float32),
            pltpu.VMEM((CHUNK, PDIM), jnp.float32),
            pltpu.SemaphoreType.DMA,
            pltpu.SemaphoreType.DMA,
        ),
    )
    return fn(user_id, item_id, c_tab)


def _tc_concat_body(e1_ref, e2_ref, c_ref):
    c_ref[...] = jnp.concatenate([e1_ref[...], e2_ref[...]], axis=1)


def _tc_concat(e1, e2):
    nrows = e1.shape[0]
    blkr = 5000
    return pl.pallas_call(
        _tc_concat_body,
        grid=(nrows // blkr,),
        in_specs=[
            pl.BlockSpec((blkr, EDIM), lambda j: (j, 0)),
            pl.BlockSpec((blkr, EDIM), lambda j: (j, 0)),
        ],
        out_specs=pl.BlockSpec((blkr, PDIM), lambda j: (j, 0)),
        out_shape=jax.ShapeDtypeStruct((nrows, PDIM), jnp.float32),
    )(e1, e2)


def _tc_body(u_ref, i_ref, w_ref, b_ref, prob_ref, pu_ref, pi_ref):
    u = u_ref[...]
    i = i_ref[...]
    w = w_ref[...]
    b = b_ref[...]
    dn = (((1,), (1,)), ((), ()))
    pu_ref[...] = lax.dot_general(u[:, :EDIM], w, dn,
                                  preferred_element_type=jnp.float32) + b
    pi_ref[...] = lax.dot_general(i[:, :EDIM], w, dn,
                                  preferred_element_type=jnp.float32) + b
    d = jnp.sum(u * i, axis=1, keepdims=True)
    prob_ref[...] = jax.nn.sigmoid(d)


def _tc_compute(u, i, w, b):
    blk = 2048
    row_spec = pl.BlockSpec((blk, PDIM), lambda j: (j, 0))
    prob, pu, pi = pl.pallas_call(
        _tc_body,
        grid=(BATCH // blk,),
        in_specs=[
            row_spec, row_spec,
            pl.BlockSpec((ANUM, EDIM), lambda j: (0, 0)),
            pl.BlockSpec((1, ANUM), lambda j: (0, 0)),
        ],
        out_specs=[
            pl.BlockSpec((blk, 1), lambda j: (j, 0)),
            pl.BlockSpec((blk, ANUM), lambda j: (j, 0)),
            pl.BlockSpec((blk, ANUM), lambda j: (j, 0)),
        ],
        out_shape=[
            jax.ShapeDtypeStruct((BATCH, 1), jnp.float32),
            jax.ShapeDtypeStruct((BATCH, ANUM), jnp.float32),
            jax.ShapeDtypeStruct((BATCH, ANUM), jnp.float32),
        ],
    )(u, i, w, b.reshape(1, ANUM))
    return prob.reshape(BATCH), pu, pi


def kernel(user_id, item_id, Eu1, Eu2, Ei1, Ei2, W, b):
    c_tab = _tc_concat(Eu1, Eu2)
    u, i = _sc_gather(user_id, item_id, c_tab)
    return _tc_compute(u, i, W, b)

# --- scband reference (transcript-rebuilt; emitter-appended) ---
"""Pipeline reference for scband-zhang-22471268893333 (READ-ONLY COPY).

The authoritative reference and input builder live on the scoring server;
editing this copy changes nothing except your own understanding.
"""

import jax, jax.numpy as jnp
import numpy as np

USER_NUM = 100000
ITEM_NUM = 100000
ASPECT_NUM = 32
E1 = 64
E2 = 64
BATCH = 16384


def setup_inputs(seed: int = 0) -> dict:
    key = jax.random.key(seed)
    k_u, k_i, k_eu1, k_eu2, k_ei1, k_ei2, k_w, k_b = jax.random.split(key, 8)
    user_id = jax.random.randint(k_u, (BATCH,), 0, USER_NUM, dtype=jnp.int64 if jax.config.jax_enable_x64 else jnp.int32)
    item_id = jax.random.randint(k_i, (BATCH,), 0, ITEM_NUM, dtype=jnp.int64 if jax.config.jax_enable_x64 else jnp.int32)
    Eu1 = jax.random.normal(k_eu1, (USER_NUM, E1), dtype=jnp.float32)
    Eu2 = jax.random.normal(k_eu2, (USER_NUM, E2), dtype=jnp.float32)
    Ei1 = jax.random.normal(k_ei1, (ITEM_NUM, E1), dtype=jnp.float32)
    Ei2 = jax.random.normal(k_ei2, (ITEM_NUM, E2), dtype=jnp.float32)
    W = jax.random.normal(k_w, (ASPECT_NUM, E1), dtype=jnp.float32) * (1.0 / np.sqrt(E1))
    b = jnp.zeros((ASPECT_NUM,), dtype=jnp.float32)
    return {"user_id": user_id, "item_id": item_id, "Eu1": Eu1, "Eu2": Eu2, "Ei1": Ei1, "Ei2": Ei2, "W": W, "b": b}


def reference(user_id, item_id, Eu1, Eu2, Ei1, Ei2, W, b):
    # Faithful to original torch forward: item ids index the USER tables
    # (embed_u1/embed_u2), as in the source code. Ei1/Ei2 are parameters of
    # the module but unused in forward.
    u_v1 = jnp.take(Eu1, user_id, axis=0)
    u_v2 = jnp.take(Eu2, user_id, axis=0)
    i_v1 = jnp.take(Eu1, item_id, axis=0)
    i_v2 = jnp.take(Eu2, item_id, axis=0)
    pred_asp_u = u_v1 @ W.T + b
    pred_asp_i = i_v1 @ W.T + b
    prob = jnp.concatenate([i_v1, i_v2], axis=1) * jnp.concatenate([u_v1, u_v2], axis=1)
    prob = jax.nn.sigmoid(jnp.sum(prob, axis=1))
    return (prob, pred_asp_u, pred_asp_i)

if __name__ == "__main__":
    import jax
    _d = setup_inputs()
    print(jax.jit(kernel)(*tuple(_d.values())))

</pallas_src>

<mosaic_0001>
#map = affine_map<(d0, d1) -> (0)>
#map1 = affine_map<(d0, d1) -> (0, 0)>
module attributes {stable_mosaic.version = 14 : i64} {
  func.func @_sc_gather_body(%arg0: i32, %arg1: i32, %arg2: memref<16384xi32, #tpu.memory_space<hbm>>, %arg3: memref<16384xi32, #tpu.memory_space<hbm>>, %arg4: memref<100000x128xf32, #tpu.memory_space<hbm>>, %arg5: memref<16384x128xf32, #tpu.memory_space<hbm>>, %arg6: memref<16384x128xf32, #tpu.memory_space<hbm>>, %arg7: memref<512xi32, #tpu.memory_space<vmem>>, %arg8: memref<512xi32, #tpu.memory_space<vmem>>, %arg9: memref<256x128xf32, #tpu.memory_space<vmem>>, %arg10: memref<256x128xf32, #tpu.memory_space<vmem>>, %arg11: memref<!tpu.dma_semaphore, #tpu.memory_space<semaphore_mem>>, %arg12: memref<!tpu.dma_semaphore, #tpu.memory_space<semaphore_mem>>) attributes {dimension_semantics = [#tpu.dimension_semantics<core_parallel>, #tpu.dimension_semantics<subcore_parallel>], iteration_bounds = array<i64: 2, 16>, scalar_prefetch = 0 : i64, scratch_operands = 6 : i64, tpu.core_type = #tpu.core_type<sc_vector_subcore>, window_params = [{transform_indices = #map}, {transform_indices = #map}, {transform_indices = #map1}, {transform_indices = #map1}, {transform_indices = #map1}]} {
    %mul3A = arith.constant 2 : i32
    %mul3A_0 = arith.muli %arg1, %mul3A : i32
    %add3A = arith.addi %mul3A_0, %arg0 : i32
    %mul3A_1 = arith.constant 512 : i32
    %mul3A_2 = arith.muli %add3A, %mul3A_1 : i32
    "tpu.region"() ({
      %run_scoped3A = tpu.sem_alloc : memref<!tpu.dma_semaphore, #tpu.memory_space<semaphore_mem>>
      %dma_start3A_49 = tpu.memref_slice %arg2[%mul3A_2] : memref<16384xi32, #tpu.memory_space<hbm>> -> memref<512xi32, #tpu.memory_space<hbm>>
      %dma_start3A_50 = tpu.memref_slice %arg2[%mul3A_2] : memref<16384xi32, #tpu.memory_space<hbm>> -> memref<512xi32, #tpu.memory_space<hbm>>
      tpu.enqueue_dma source(%dma_start3A_50 : memref<512xi32, #tpu.memory_space<hbm>>) target(%arg7 : memref<512xi32, #tpu.memory_space<vmem>>) target_semaphore(%run_scoped3A : memref<!tpu.dma_semaphore, #tpu.memory_space<semaphore_mem>>)
      %dma_wait3A_51 = tpu.memref_slice %arg2[%mul3A_2] : memref<16384xi32, #tpu.memory_space<hbm>> -> memref<512xi32, #tpu.memory_space<hbm>>
      %dma_wait3A_52 = tpu.memref_slice %arg2[%mul3A_2] : memref<16384xi32, #tpu.memory_space<hbm>> -> memref<512xi32, #tpu.memory_space<hbm>>
      tpu.wait_dma2 semaphore(%run_scoped3A : memref<!tpu.dma_semaphore, #tpu.memory_space<semaphore_mem>>) src(%dma_wait3A_52 : memref<512xi32, #tpu.memory_space<hbm>>) dst(%arg7 : memref<512xi32, #tpu.memory_space<vmem>>)
      tpu.yield
    }) : () -> ()
    "tpu.region"() ({
      %run_scoped3A = tpu.sem_alloc : memref<!tpu.dma_semaphore, #tpu.memory_space<semaphore_mem>>
      %dma_start3A_49 = tpu.memref_slice %arg3[%mul3A_2] : memref<16384xi32, #tpu.memory_space<hbm>> -> memref<512xi32, #tpu.memory_space<hbm>>
      %dma_start3A_50 = tpu.memref_slice %arg3[%mul3A_2] : memref<16384xi32, #tpu.memory_space<hbm>> -> memref<512xi32, #tpu.memory_space<hbm>>
      tpu.enqueue_dma source(%dma_start3A_50 : memref<512xi32, #tpu.memory_space<hbm>>) target(%arg8 : memref<512xi32, #tpu.memory_space<vmem>>) target_semaphore(%run_scoped3A : memref<!tpu.dma_semaphore, #tpu.memory_space<semaphore_mem>>)
      %dma_wait3A_51 = tpu.memref_slice %arg3[%mul3A_2] : memref<16384xi32, #tpu.memory_space<hbm>> -> memref<512xi32, #tpu.memory_space<hbm>>
      %dma_wait3A_52 = tpu.memref_slice %arg3[%mul3A_2] : memref<16384xi32, #tpu.memory_space<hbm>> -> memref<512xi32, #tpu.memory_space<hbm>>
      tpu.wait_dma2 semaphore(%run_scoped3A : memref<!tpu.dma_semaphore, #tpu.memory_space<semaphore_mem>>) src(%dma_wait3A_52 : memref<512xi32, #tpu.memory_space<hbm>>) dst(%arg8 : memref<512xi32, #tpu.memory_space<vmem>>)
      tpu.yield
    }) : () -> ()
    %dma_start3A = arith.constant 0 : i32
    %dma_start3A_3 = tpu.memref_slice %arg7[%dma_start3A] : memref<512xi32, #tpu.memory_space<vmem>> -> memref<256xi32, #tpu.memory_space<vmem>>
    %dma_start3A_4 = arith.constant 0 : i32
    %dma_start3A_5 = arith.constant 0 : i32
    %dma_start3A_6 = tpu.memref_slice %arg4[%dma_start3A_4, %dma_start3A_5] : memref<100000x128xf32, #tpu.memory_space<hbm>> -> memref<100000x128xf32, #tpu.memory_space<hbm>>
    tpu.enqueue_indirect_dma source(%dma_start3A_6 : memref<100000x128xf32, #tpu.memory_space<hbm>>) target(%arg9 : memref<256x128xf32, #tpu.memory_space<vmem>>) offsets(%dma_start3A_3 : memref<256xi32, #tpu.memory_space<vmem>>) semaphore(%arg11 : memref<!tpu.dma_semaphore, #tpu.memory_space<semaphore_mem>>)
    %dma_start3A_7 = arith.constant 256 : i32
    %dma_start3A_8 = tpu.memref_slice %arg7[%dma_start3A_7] : memref<512xi32, #tpu.memory_space<vmem>> -> memref<256xi32, #tpu.memory_space<vmem>>
    %dma_start3A_9 = arith.constant 0 : i32
    %dma_start3A_10 = arith.constant 0 : i32
    %dma_start3A_11 = tpu.memref_slice %arg4[%dma_start3A_9, %dma_start3A_10] : memref<100000x128xf32, #tpu.memory_space<hbm>> -> memref<100000x128xf32, #tpu.memory_space<hbm>>
    tpu.enqueue_indirect_dma source(%dma_start3A_11 : memref<100000x128xf32, #tpu.memory_space<hbm>>) target(%arg10 : memref<256x128xf32, #tpu.memory_space<vmem>>) offsets(%dma_start3A_8 : memref<256xi32, #tpu.memory_space<vmem>>) semaphore(%arg12 : memref<!tpu.dma_semaphore, #tpu.memory_space<semaphore_mem>>)
    %dma_wait3A = arith.constant 0 : i32
    %dma_wait3A_12 = tpu.memref_slice %arg7[%dma_wait3A] : memref<512xi32, #tpu.memory_space<vmem>> -> memref<256xi32, #tpu.memory_space<vmem>>
    %dma_wait3A_13 = arith.constant 0 : i32
    %dma_wait3A_14 = arith.constant 0 : i32
    %dma_wait3A_15 = tpu.memref_slice %arg4[%dma_wait3A_13, %dma_wait3A_14] : memref<100000x128xf32, #tpu.memory_space<hbm>> -> memref<100000x128xf32, #tpu.memory_space<hbm>>
    tpu.wait_indirect_dma semaphore(%arg11 : memref<!tpu.dma_semaphore, #tpu.memory_space<semaphore_mem>>) src(%dma_wait3A_15 : memref<100000x128xf32, #tpu.memory_space<hbm>>) dst(%arg9 : memref<256x128xf32, #tpu.memory_space<vmem>>)
    %add3A_16 = arith.constant 0 : i32
    %add3A_17 = arith.addi %mul3A_2, %add3A_16 : i32
    "tpu.region"() ({
      %run_scoped3A = tpu.sem_alloc : memref<!tpu.dma_semaphore, #tpu.memory_space<semaphore_mem>>
      %dma_start3A_49 = arith.constant 0 : i32
      %dma_start3A_50 = tpu.memref_slice %arg5[%add3A_17, %dma_start3A_49] : memref<16384x128xf32, #tpu.memory_space<hbm>> -> memref<256x128xf32, #tpu.memory_space<hbm>>
      %dma_start3A_51 = arith.constant 0 : i32
      %dma_start3A_52 = tpu.memref_slice %arg5[%add3A_17, %dma_start3A_51] : memref<16384x128xf32, #tpu.memory_space<hbm>> -> memref<256x128xf32, #tpu.memory_space<hbm>>
      tpu.enqueue_dma source(%arg9 : memref<256x128xf32, #tpu.memory_space<vmem>>) target(%dma_start3A_52 : memref<256x128xf32, #tpu.memory_space<hbm>>) target_semaphore(%run_scoped3A : memref<!tpu.dma_semaphore, #tpu.memory_space<semaphore_mem>>)
      %dma_wait3A_53 = arith.constant 0 : i32
      %dma_wait3A_54 = tpu.memref_slice %arg5[%add3A_17, %dma_wait3A_53] : memref<16384x128xf32, #tpu.memory_space<hbm>> -> memref<256x128xf32, #tpu.memory_space<hbm>>
      %dma_wait3A_55 = arith.constant 0 : i32
      %dma_wait3A_56 = tpu.memref_slice %arg5[%add3A_17, %dma_wait3A_55] : memref<16384x128xf32, #tpu.memory_space<hbm>> -> memref<256x128xf32, #tpu.memory_space<hbm>>
      tpu.wait_dma2 semaphore(%run_scoped3A : memref<!tpu.dma_semaphore, #tpu.memory_space<semaphore_mem>>) src(%arg9 : memref<256x128xf32, #tpu.memory_space<vmem>>) dst(%dma_wait3A_56 : memref<256x128xf32, #tpu.memory_space<hbm>>)
      tpu.yield
    }) : () -> ()
    %dma_start3A_18 = arith.constant 0 : i32
    %dma_start3A_19 = tpu.memref_slice %arg8[%dma_start3A_18] : memref<512xi32, #tpu.memory_space<vmem>> -> memref<256xi32, #tpu.memory_space<vmem>>
    %dma_start3A_20 = arith.constant 0 : i32
    %dma_start3A_21 = arith.constant 0 : i32
    %dma_start3A_22 = tpu.memref_slice %arg4[%dma_start3A_20, %dma_start3A_21] : memref<100000x128xf32, #tpu.memory_space<hbm>> -> memref<100000x128xf32, #tpu.memory_space<hbm>>
    tpu.enqueue_indirect_dma source(%dma_start3A_22 : memref<100000x128xf32, #tpu.memory_space<hbm>>) target(%arg9 : memref<256x128xf32, #tpu.memory_space<vmem>>) offsets(%dma_start3A_19 : memref<256xi32, #tpu.memory_space<vmem>>) semaphore(%arg11 : memref<!tpu.dma_semaphore, #tpu.memory_space<semaphore_mem>>)
    %dma_wait3A_23 = arith.constant 256 : i32
    %dma_wait3A_24 = tpu.memref_slice %arg7[%dma_wait3A_23] : memref<512xi32, #tpu.memory_space<vmem>> -> memref<256xi32, #tpu.memory_space<vmem>>
    %dma_wait3A_25 = arith.constant 0 : i32
    %dma_wait3A_26 = arith.constant 0 : i32
    %dma_wait3A_27 = tpu.memref_slice %arg4[%dma_wait3A_25, %dma_wait3A_26] : memref<100000x128xf32, #tpu.memory_space<hbm>> -> memref<100000x128xf32, #tpu.memory_space<hbm>>
    tpu.wait_indirect_dma semaphore(%arg12 : memref<!tpu.dma_semaphore, #tpu.memory_space<semaphore_mem>>) src(%dma_wait3A_27 : memref<100000x128xf32, #tpu.memory_space<hbm>>) dst(%arg10 : memref<256x128xf32, #tpu.memory_space<vmem>>)
    %add3A_28 = arith.constant 256 : i32
    %add3A_29 = arith.addi %mul3A_2, %add3A_28 : i32
    "tpu.region"() ({
      %run_scoped3A = tpu.sem_alloc : memref<!tpu.dma_semaphore, #tpu.memory_space<semaphore_mem>>
      %dma_start3A_49 = arith.constant 0 : i32
      %dma_start3A_50 = tpu.memref_slice %arg5[%add3A_29, %dma_start3A_49] : memref<16384x128xf32, #tpu.memory_space<hbm>> -> memref<256x128xf32, #tpu.memory_space<hbm>>
      %dma_start3A_51 = arith.constant 0 : i32
      %dma_start3A_52 = tpu.memref_slice %arg5[%add3A_29, %dma_start3A_51] : memref<16384x128xf32, #tpu.memory_space<hbm>> -> memref<256x128xf32, #tpu.memory_space<hbm>>
      tpu.enqueue_dma source(%arg10 : memref<256x128xf32, #tpu.memory_space<vmem>>) target(%dma_start3A_52 : memref<256x128xf32, #tpu.memory_space<hbm>>) target_semaphore(%run_scoped3A : memref<!tpu.dma_semaphore, #tpu.memory_space<semaphore_mem>>)
      %dma_wait3A_53 = arith.constant 0 : i32
      %dma_wait3A_54 = tpu.memref_slice %arg5[%add3A_29, %dma_wait3A_53] : memref<16384x128xf32, #tpu.memory_space<hbm>> -> memref<256x128xf32, #tpu.memory_space<hbm>>
      %dma_wait3A_55 = arith.constant 0 : i32
      %dma_wait3A_56 = tpu.memref_slice %arg5[%add3A_29, %dma_wait3A_55] : memref<16384x128xf32, #tpu.memory_space<hbm>> -> memref<256x128xf32, #tpu.memory_space<hbm>>
      tpu.wait_dma2 semaphore(%run_scoped3A : memref<!tpu.dma_semaphore, #tpu.memory_space<semaphore_mem>>) src(%arg10 : memref<256x128xf32, #tpu.memory_space<vmem>>) dst(%dma_wait3A_56 : memref<256x128xf32, #tpu.memory_space<hbm>>)
      tpu.yield
    }) : () -> ()
    %dma_start3A_30 = arith.constant 256 : i32
    %dma_start3A_31 = tpu.memref_slice %arg8[%dma_start3A_30] : memref<512xi32, #tpu.memory_space<vmem>> -> memref<256xi32, #tpu.memory_space<vmem>>
    %dma_start3A_32 = arith.constant 0 : i32
    %dma_start3A_33 = arith.constant 0 : i32
    %dma_start3A_34 = tpu.memref_slice %arg4[%dma_start3A_32, %dma_start3A_33] : memref<100000x128xf32, #tpu.memory_space<hbm>> -> memref<100000x128xf32, #tpu.memory_space<hbm>>
    tpu.enqueue_indirect_dma source(%dma_start3A_34 : memref<100000x128xf32, #tpu.memory_space<hbm>>) target(%arg10 : memref<256x128xf32, #tpu.memory_space<vmem>>) offsets(%dma_start3A_31 : memref<256xi32, #tpu.memory_space<vmem>>) semaphore(%arg12 : memref<!tpu.dma_semaphore, #tpu.memory_space<semaphore_mem>>)
    %dma_wait3A_35 = arith.constant 0 : i32
    %dma_wait3A_36 = tpu.memref_slice %arg8[%dma_wait3A_35] : memref<512xi32, #tpu.memory_space<vmem>> -> memref<256xi32, #tpu.memory_space<vmem>>
    %dma_wait3A_37 = arith.constant 0 : i32
    %dma_wait3A_38 = arith.constant 0 : i32
    %dma_wait3A_39 = tpu.memref_slice %arg4[%dma_wait3A_37, %dma_wait3A_38] : memref<100000x128xf32, #tpu.memory_space<hbm>> -> memref<100000x128xf32, #tpu.memory_space<hbm>>
    tpu.wait_indirect_dma semaphore(%arg11 : memref<!tpu.dma_semaphore, #tpu.memory_space<semaphore_mem>>) src(%dma_wait3A_39 : memref<100000x128xf32, #tpu.memory_space<hbm>>) dst(%arg9 : memref<256x128xf32, #tpu.memory_space<vmem>>)
    %add3A_40 = arith.constant 0 : i32
    %add3A_41 = arith.addi %mul3A_2, %add3A_40 : i32
    "tpu.region"() ({
      %run_scoped3A = tpu.sem_alloc : memref<!tpu.dma_semaphore, #tpu.memory_space<semaphore_mem>>
      %dma_start3A_49 = arith.constant 0 : i32
      %dma_start3A_50 = tpu.memref_slice %arg6[%add3A_41, %dma_start3A_49] : memref<16384x128xf32, #tpu.memory_space<hbm>> -> memref<256x128xf32, #tpu.memory_space<hbm>>
      %dma_start3A_51 = arith.constant 0 : i32
      %dma_start3A_52 = tpu.memref_slice %arg6[%add3A_41, %dma_start3A_51] : memref<16384x128xf32, #tpu.memory_space<hbm>> -> memref<256x128xf32, #tpu.memory_space<hbm>>
      tpu.enqueue_dma source(%arg9 : memref<256x128xf32, #tpu.memory_space<vmem>>) target(%dma_start3A_52 : memref<256x128xf32, #tpu.memory_space<hbm>>) target_semaphore(%run_scoped3A : memref<!tpu.dma_semaphore, #tpu.memory_space<semaphore_mem>>)
      %dma_wait3A_53 = arith.constant 0 : i32
      %dma_wait3A_54 = tpu.memref_slice %arg6[%add3A_41, %dma_wait3A_53] : memref<16384x128xf32, #tpu.memory_space<hbm>> -> memref<256x128xf32, #tpu.memory_space<hbm>>
      %dma_wait3A_55 = arith.constant 0 : i32
      %dma_wait3A_56 = tpu.memref_slice %arg6[%add3A_41, %dma_wait3A_55] : memref<16384x128xf32, #tpu.memory_space<hbm>> -> memref<256x128xf32, #tpu.memory_space<hbm>>
      tpu.wait_dma2 semaphore(%run_scoped3A : memref<!tpu.dma_semaphore, #tpu.memory_space<semaphore_mem>>) src(%arg9 : memref<256x128xf32, #tpu.memory_space<vmem>>) dst(%dma_wait3A_56 : memref<256x128xf32, #tpu.memory_space<hbm>>)
      tpu.yield
    }) : () -> ()
    %dma_wait3A_42 = arith.constant 256 : i32
    %dma_wait3A_43 = tpu.memref_slice %arg8[%dma_wait3A_42] : memref<512xi32, #tpu.memory_space<vmem>> -> memref<256xi32, #tpu.memory_space<vmem>>
    %dma_wait3A_44 = arith.constant 0 : i32
    %dma_wait3A_45 = arith.constant 0 : i32
    %dma_wait3A_46 = tpu.memref_slice %arg4[%dma_wait3A_44, %dma_wait3A_45] : memref<100000x128xf32, #tpu.memory_space<hbm>> -> memref<100000x128xf32, #tpu.memory_space<hbm>>
    tpu.wait_indirect_dma semaphore(%arg12 : memref<!tpu.dma_semaphore, #tpu.memory_space<semaphore_mem>>) src(%dma_wait3A_46 : memref<100000x128xf32, #tpu.memory_space<hbm>>) dst(%arg10 : memref<256x128xf32, #tpu.memory_space<vmem>>)
    %add3A_47 = arith.constant 256 : i32
    %add3A_48 = arith.addi %mul3A_2, %add3A_47 : i32
    "tpu.region"() ({
      %run_scoped3A = tpu.sem_alloc : memref<!tpu.dma_semaphore, #tpu.memory_space<semaphore_mem>>
      %dma_start3A_49 = arith.constant 0 : i32
      %dma_start3A_50 = tpu.memref_slice %arg6[%add3A_48, %dma_start3A_49] : memref<16384x128xf32, #tpu.memory_space<hbm>> -> memref<256x128xf32, #tpu.memory_space<hbm>>
      %dma_start3A_51 = arith.constant 0 : i32
      %dma_start3A_52 = tpu.memref_slice %arg6[%add3A_48, %dma_start3A_51] : memref<16384x128xf32, #tpu.memory_space<hbm>> -> memref<256x128xf32, #tpu.memory_space<hbm>>
      tpu.enqueue_dma source(%arg10 : memref<256x128xf32, #tpu.memory_space<vmem>>) target(%dma_start3A_52 : memref<256x128xf32, #tpu.memory_space<hbm>>) target_semaphore(%run_scoped3A : memref<!tpu.dma_semaphore, #tpu.memory_space<semaphore_mem>>)
      %dma_wait3A_53 = arith.constant 0 : i32
      %dma_wait3A_54 = tpu.memref_slice %arg6[%add3A_48, %dma_wait3A_53] : memref<16384x128xf32, #tpu.memory_space<hbm>> -> memref<256x128xf32, #tpu.memory_space<hbm>>
      %dma_wait3A_55 = arith.constant 0 : i32
      %dma_wait3A_56 = tpu.memref_slice %arg6[%add3A_48, %dma_wait3A_55] : memref<16384x128xf32, #tpu.memory_space<hbm>> -> memref<256x128xf32, #tpu.memory_space<hbm>>
      tpu.wait_dma2 semaphore(%run_scoped3A : memref<!tpu.dma_semaphore, #tpu.memory_space<semaphore_mem>>) src(%arg10 : memref<256x128xf32, #tpu.memory_space<vmem>>) dst(%dma_wait3A_56 : memref<256x128xf32, #tpu.memory_space<hbm>>)
      tpu.yield
    }) : () -> ()
    return
  }
}

module attributes {stable_mosaic.version = 14 : i64} {
  func.func @_tc_concat_body(%arg0: i32, %arg1: memref<5000x64xf32, #tpu.memory_space<vmem>>, %arg2: memref<5000x64xf32, #tpu.memory_space<vmem>>, %arg3: memref<5000x128xf32, #tpu.memory_space<vmem>>) attributes {dimension_semantics = [#tpu.dimension_semantics<arbitrary>], iteration_bounds = array<i64: 20>, scalar_prefetch = 0 : i64, scratch_operands = 0 : i64, tpu.core_type = #tpu.core_type<tc>, window_params = [{transform_indices = @transform_0, window_bounds = array<i64: 5000, 64>}, {transform_indices = @transform_1, window_bounds = array<i64: 5000, 64>}, {transform_indices = @transform_2, window_bounds = array<i64: 5000, 128>}]} {
    %get3A = arith.constant 0 : index
    %get3A_0 = arith.constant 0 : index
    %get3A_1 = vector.load %arg1[%get3A, %get3A_0] : memref<5000x64xf32, #tpu.memory_space<vmem>>, vector<5000x64xf32>
    %get3A_2 = arith.constant 0 : index
    %get3A_3 = arith.constant 0 : index
    %get3A_4 = vector.load %arg2[%get3A_2, %get3A_3] : memref<5000x64xf32, #tpu.memory_space<vmem>>, vector<5000x64xf32>
    %concatenate3A = tpu.concatenate %get3A_1, %get3A_4 in 1 : vector<5000x64xf32>, vector<5000x64xf32> -> vector<5000x128xf32>
    %swap3A = arith.constant 0 : index
    %swap3A_5 = arith.constant 0 : index
    %swap3A_6 = vector.load %arg3[%swap3A, %swap3A_5] : memref<5000x128xf32, #tpu.memory_space<vmem>>, vector<5000x128xf32>
    tpu.vector_store %arg3[%swap3A, %swap3A_5], %concatenate3A {strides = array<i32>} : memref<5000x128xf32, #tpu.memory_space<vmem>>, vector<5000x128xf32>,
    return
  }
  func.func @transform_0(%arg0: i32) -> (i32, i32) {
    %c0_i32 = arith.constant 0 : i32
    %c0_i32_0 = arith.constant 0 : i32
    return %arg0, %c0_i32 : i32, i32
  }
  func.func @transform_1(%arg0: i32) -> (i32, i32) {
    %c0_i32 = arith.constant 0 : i32
    %c0_i32_0 = arith.constant 0 : i32
    return %arg0, %c0_i32 : i32, i32
  }
  func.func @transform_2(%arg0: i32) -> (i32, i32) {
    %c0_i32 = arith.constant 0 : i32
    %c0_i32_0 = arith.constant 0 : i32
    return %arg0, %c0_i32 : i32, i32
  }
}

module attributes {stable_mosaic.version = 14 : i64} {
  func.func @_tc_body(%arg0: i32, %arg1: memref<2048x128xf32, #tpu.memory_space<vmem>>, %arg2: memref<2048x128xf32, #tpu.memory_space<vmem>>, %arg3: memref<32x64xf32, #tpu.memory_space<vmem>>, %arg4: memref<1x32xf32, #tpu.memory_space<vmem>>, %arg5: memref<2048x1xf32, #tpu.memory_space<vmem>>, %arg6: memref<2048x32xf32, #tpu.memory_space<vmem>>, %arg7: memref<2048x32xf32, #tpu.memory_space<vmem>>) attributes {dimension_semantics = [#tpu.dimension_semantics<arbitrary>], iteration_bounds = array<i64: 8>, scalar_prefetch = 0 : i64, scratch_operands = 0 : i64, tpu.core_type = #tpu.core_type<tc>, window_params = [{transform_indices = @transform_0, window_bounds = array<i64: 2048, 128>}, {transform_indices = @transform_1, window_bounds = array<i64: 2048, 128>}, {pipeline_mode = #tpu.pipeline_mode<synchronous>, transform_indices = @transform_2, window_bounds = array<i64: 32, 64>}, {pipeline_mode = #tpu.pipeline_mode<synchronous>, transform_indices = @transform_3, window_bounds = array<i64: 1, 32>}, {transform_indices = @transform_4, window_bounds = array<i64: 2048, 1>}, {transform_indices = @transform_5, window_bounds = array<i64: 2048, 32>}, {transform_indices = @transform_6, window_bounds = array<i64: 2048, 32>}]} {
    %get3A = arith.constant 0 : index
    %get3A_0 = arith.constant 0 : index
    %get3A_1 = vector.load %arg1[%get3A, %get3A_0] : memref<2048x128xf32, #tpu.memory_space<vmem>>, vector<2048x128xf32>
    %get3A_2 = arith.constant 0 : index
    %get3A_3 = arith.constant 0 : index
    %get3A_4 = vector.load %arg2[%get3A_2, %get3A_3] : memref<2048x128xf32, #tpu.memory_space<vmem>>, vector<2048x128xf32>
    %get3A_5 = arith.constant 0 : index
    %get3A_6 = arith.constant 0 : index
    %get3A_7 = vector.load %arg3[%get3A_5, %get3A_6] : memref<32x64xf32, #tpu.memory_space<vmem>>, vector<32x64xf32>
    %get3A_8 = arith.constant 0 : index
    %get3A_9 = arith.constant 0 : index
    %get3A_10 = vector.load %arg4[%get3A_8, %get3A_9] : memref<1x32xf32, #tpu.memory_space<vmem>>, vector<1x32xf32>
    %slice3A = vector.extract_strided_slice %get3A_1 {offsets = [0, 0], sizes = [2048, 64], strides = [1, 1]} : vector<2048x128xf32> to vector<2048x64xf32>
    %dot_general3A = arith.constant dense<0.000000e+00> : vector<2048x32xf32>
    %dot_general3A_11 = tpu.matmul %slice3A, %get3A_7, %dot_general3A {dimension_numbers = #tpu.dot_dimension_numbers<[1], [1], [0], [0], [0, 0, 1, 0], [], []>, transpose_lhs_hint = false} : vector<2048x64xf32>, vector<32x64xf32>, vector<2048x32xf32> -> vector<2048x32xf32>
    %add3A = vector.broadcast %get3A_10 : vector<1x32xf32> to vector<2048x32xf32>
    %add3A_12 = arith.addf %dot_general3A_11, %add3A : vector<2048x32xf32>
    %swap3A = arith.constant 0 : index
    %swap3A_13 = arith.constant 0 : index
    %swap3A_14 = vector.load %arg6[%swap3A, %swap3A_13] : memref<2048x32xf32, #tpu.memory_space<vmem>>, vector<2048x32xf32>
    tpu.vector_store %arg6[%swap3A, %swap3A_13], %add3A_12 {strides = array<i32>} : memref<2048x32xf32, #tpu.memory_space<vmem>>, vector<2048x32xf32>,
    %slice3A_15 = vector.extract_strided_slice %get3A_4 {offsets = [0, 0], sizes = [2048, 64], strides = [1, 1]} : vector<2048x128xf32> to vector<2048x64xf32>
    %dot_general3A_16 = arith.constant dense<0.000000e+00> : vector<2048x32xf32>
    %dot_general3A_17 = tpu.matmul %slice3A_15, %get3A_7, %dot_general3A_16 {dimension_numbers = #tpu.dot_dimension_numbers<[1], [1], [0], [0], [0, 0, 1, 0], [], []>, transpose_lhs_hint = false} : vector<2048x64xf32>, vector<32x64xf32>, vector<2048x32xf32> -> vector<2048x32xf32>
    %add3A_18 = vector.broadcast %get3A_10 : vector<1x32xf32> to vector<2048x32xf32>
    %add3A_19 = arith.addf %dot_general3A_17, %add3A_18 : vector<2048x32xf32>
    %swap3A_20 = arith.constant 0 : index
    %swap3A_21 = arith.constant 0 : index
    %swap3A_22 = vector.load %arg7[%swap3A_20, %swap3A_21] : memref<2048x32xf32, #tpu.memory_space<vmem>>, vector<2048x32xf32>
    tpu.vector_store %arg7[%swap3A_20, %swap3A_21], %add3A_19 {strides = array<i32>} : memref<2048x32xf32, #tpu.memory_space<vmem>>, vector<2048x32xf32>,
    %mul3A = arith.mulf %get3A_1, %get3A_4 : vector<2048x128xf32>
    %reduce_sum3A = arith.constant dense<0.000000e+00> : vector<2048xf32>
    %reduce_sum3A_23 = vector.multi_reduction <add>, %mul3A, %reduce_sum3A [1] : vector<2048x128xf32> to vector<2048xf32>
    %broadcast_in_dim3A = vector.shape_cast %reduce_sum3A_23 : vector<2048xf32> to vector<2048x1xf32>
    %logistic3A = arith.negf %broadcast_in_dim3A : vector<2048x1xf32>
    %logistic3A_24 = math.exp %logistic3A : vector<2048x1xf32>
    %logistic3A_25 = arith.constant 1.000000e+00 : f32
    %logistic3A_26 = vector.broadcast %logistic3A_25 : f32 to vector<2048x1xf32>
    %logistic3A_27 = arith.addf %logistic3A_26, %logistic3A_24 : vector<2048x1xf32>
    %logistic3A_28 = arith.divf %logistic3A_26, %logistic3A_27 : vector<2048x1xf32>
    %swap3A_29 = arith.constant 0 : index
    %swap3A_30 = arith.constant 0 : index
    %swap3A_31 = vector.load %arg5[%swap3A_29, %swap3A_30] : memref<2048x1xf32, #tpu.memory_space<vmem>>, vector<2048x1xf32>
    tpu.vector_store %arg5[%swap3A_29, %swap3A_30], %logistic3A_28 {strides = array<i32>} : memref<2048x1xf32, #tpu.memory_space<vmem>>, vector<2048x1xf32>,
    return
  }
  func.func @transform_0(%arg0: i32) -> (i32, i32) {
    %c0_i32 = arith.constant 0 : i32
    %c0_i32_0 = arith.constant 0 : i32
    return %arg0, %c0_i32 : i32, i32
  }
  func.func @transform_1(%arg0: i32) -> (i32, i32) {
    %c0_i32 = arith.constant 0 : i32
    %c0_i32_0 = arith.constant 0 : i32
    return %arg0, %c0_i32 : i32, i32
  }
  func.func @transform_2(%arg0: i32) -> (i32, i32) {
    %c0_i32 = arith.constant 0 : i32
    %c0_i32_0 = arith.constant 0 : i32
    %c0_i32_1 = arith.constant 0 : i32
    return %c0_i32, %c0_i32_0 : i32, i32
  }
  func.func @transform_3(%arg0: i32) -> (i32, i32) {
    %c0_i32 = arith.constant 0 : i32
    %c0_i32_0 = arith.constant 0 : i32
    %c0_i32_1 = arith.constant 0 : i32
    return %c0_i32, %c0_i32_0 : i32, i32
  }
  func.func @transform_4(%arg0: i32) -> (i32, i32) {
    %c0_i32 = arith.constant 0 : i32
    %c0_i32_0 = arith.constant 0 : i32
    return %arg0, %c0_i32 : i32, i32
  }
  func.func @transform_5(%arg0: i32) -> (i32, i32) {
    %c0_i32 = arith.constant 0 : i32
    %c0_i32_0 = arith.constant 0 : i32
    return %arg0, %c0_i32 : i32, i32
  }
  func.func @transform_6(%arg0: i32) -> (i32, i32) {
    %c0_i32 = arith.constant 0 : i32
    %c0_i32_0 = arith.constant 0 : i32
    return %arg0, %c0_i32 : i32, i32
  }
}

</mosaic_0001>

<sc_bundles>
// kernel: kernel.5.cloned.1.call-start
scs
__scs_entry_jumppad:
0x0: {  	(pc) =	sbr.rel $0x88, $3  }
0x1: {  	(tag) =	ssettag $0x0;
	lr =	simm.s32 $0x1  }
0x2: {  	[smem:$0x3F9B] =	sst lr;
	_ =	strace $0xD0000000  }
0x3: {  	_ = 	snop  }
0x4: {  	_ = 	snop  }
0x5: {  	_ = 	snop  }
0x6: {  	_ = 	snop  }
0x7: {  	_ = 	snop  }
__scs_overlays_trampoline_lowered:
0x8: {  	[smem:$0x3FAA] =	sst s0  }
0x9: {  	[smem:$0x3FAB] =	sst s1  }
0xa: {  	[smem:$0x3FAC] =	sst s2  }
0xb: {  	[smem:$0x3FAD] =	sst s3  }
0xc: {  	[smem:$0x3FAE] =	sst s4  }
0xd: {  	[smem:$0x3FAF] =	sst s5  }
0xe: {  	[smem:$0x3FB0] =	sst s6  }
0xf: {  	[smem:$0x3FB1] =	sst s7  }
0x10: {  	[smem:$0x3FB2] =	sst s8  }
0x11: {  	[smem:$0x3FB3] =	sst s9;
	s0 =	simm.s32 @!p0 $0x0  }
0x12: {  	s1 =	sld [smem:$0x3F99];
	s0 =	simm.s32 @p0 $0x1  }
0x13: {  	[smem:$0x3FB4] =	sst s0;
	s0 =	simm.s32 @!p1 $0x0  }
0x14: {  	s2 =	sld [smem:$0x3F98];
	s0 =	simm.s32 @p1 $0x1  }
0x15: {  	[smem:$0x3FB5] =	sst s0;
	s0 =	simm.s32 @!p2 $0x0  }
0x16: {  	s3 =	sld [smem:$0x3FDB];
	s0 =	simm.s32 @p2 $0x1  }
0x17: {  	s4 =	simm.s32 $0x1BF5;
	[smem:$0x3FB7] =	sst s0  }
0x18: {  	s0 =	sld [smem:$0x3F9A];
	_ =	swait.ge [sflag:s4], $0x0  }
0x19: {  	s7 =	sld [smem:$0x3F9B]  }
0x1a: {  	s8 =	sadd.s32 $0xFFFFE003, lr  }
0x1b: {  	s9 =	sadd.s32 $0xFFFFFEF7, lr;
	s5 =	simm.s32 $0xFFFFFFFF;
	p2 =	slt.u32 s8, $0xFFFFF086  }
0x1c: {  	p1 =	slt.u32 s9, $0xF7A;
	s5 =	simm.s32 @!p2 $0x0  }
0x1d: {  	s5 =	simm.s32 @p1 $0x1;
	p0 =	seq.s32 s7, s2  }
0x1e: {  	s7 =	smul.u32 @!p0 $0xF7A, s2;
	p2 =	seq.s32 @!p0 s5, $0x0  }
0x1f: {  	s9 =	smul.u32 $0xF7A, s1;
	s8 =	simm.s32 @!p0 $0x1BF5;
	p2 =	por !p2, p0  }
0x20: {  	[sflag:s8] =	ssyncset.s32 @!p0 $0xFFFFF086;
	s6 =	sadd.s32 @!p0 s3, s7;
	s7 =	simm.s32 @!p0 $0x108  }
0x21: {  	s3 =	sadd.s32 s3, s9;
	s6 =	sadd.s32 @!p0 $0x88, s6;
	s7 =	simm.s32 @p2 $0x1082  }
0x22: {  	[simem:s7], [sflag:s8] =	dma.local @!p0 [hbm:s6], $0xF7A  }
0x23: {  	s9 =	sor.u32 $0xD0000000, s2;
	s6 =	simm.s32 $0x108;
	_ =	swait.ge @!p0 [sflag:s8], $0x0  }
0x24: {  	s3 =	sadd.s32 $0x88, s3;
	s6 =	simm.s32 @!p1 $0x1082;
	[sflag:s4] =	ssyncset.s32 $0xFFFFF086  }
0x25: {  	[simem:s6], [sflag:s4] =	dma.local [hbm:s3], $0xF7A  }
0x26: {  	[smem:$0x3F9B] =	sst s1;
	(tag) =	ssettag s2;
	_ =	strace s9  }
0x27: {  	s1 =	sld [smem:$0x3FAB]  }
0x28: {  	s2 =	sld [smem:$0x3FAC]  }
0x29: {  	s4 =	sld [smem:$0x3FAE]  }
0x2a: {  	p0 =	seq.s32 s5, $0x0;
	s5 =	sld [smem:$0x3FAF]  }
0x2b: {  	s6 =	sld [smem:$0x3FB0]  }
0x2c: {  	s7 =	sld [smem:$0x3FB1]  }
0x2d: {  	s3 =	simm.s32 $0x108;
	s8 =	sld [smem:$0x3FB2]  }
0x2e: {  	s3 =	simm.s32 @!p0 $0x1082;
	s9 =	sld [smem:$0x3FB3]  }
0x2f: {  	lr =	sadd.s32 s0, s3;
	s0 =	sld [smem:$0x3FAA]  }
0x30: {  	s3 =	sld [smem:$0x3FAD]  }
0x31: {  	[smem:$0x3FB6] =	sst s10  }
0x32: {  	s10 =	sld [smem:$0x3FB4];
	_ =	sdelay $0x3  }
0x33: {  	p0 =	seq.s32 s10, $0x1;
	s10 =	sld [smem:$0x3FB6];
	_ =	sdelay $0x3  }
0x34: {  	[smem:$0x3FB6] =	sst s10  }
0x35: {  	s10 =	sld [smem:$0x3FB5];
	_ =	sdelay $0x3  }
0x36: {  	p1 =	seq.s32 s10, $0x1;
	s10 =	sld [smem:$0x3FB6];
	_ =	sdelay $0x3  }
0x37: {  	[smem:$0x3FB6] =	sst s10  }
0x38: {  	s10 =	sld [smem:$0x3FB7]  }
0x39: {  	_ = 	snop;
	(pc) =	sbr.ind lr, $3  }
0x3a: {  	_ = 	snop  }
0x3b: {  	_ = 	snop  }
0x3c: {  	p2 =	seq.s32 s10, $0x1;
	s10 =	sld [smem:$0x3FB6]  }
0x3d: {  	_ =	shalt  }
0x3e: {  	_ =	shalt  }
0x3f: {  	_ =	shalt  }
0x40: {  	_ =	shalt  }
0x41: {  	_ =	shalt  }
0x42: {  	_ =	shalt  }
0x43: {  	_ =	shalt  }
0x44: {  	_ =	shalt  }
0x45: {  	_ =	shalt  }
0x46: {  	_ =	shalt  }
0x47: {  	_ =	shalt  }
0x48: {  	_ =	shalt  }
0x49: {  	_ =	shalt  }
0x4a: {  	_ =	shalt  }
0x4b: {  	_ =	shalt  }
0x4c: {  	_ =	shalt  }
0x4d: {  	_ =	shalt  }
0x4e: {  	_ =	shalt  }
0x4f: {  	_ =	shalt  }
0x50: {  	_ =	shalt  }
0x51: {  	_ =	shalt  }
0x52: {  	_ =	shalt  }
0x53: {  	_ =	shalt  }
0x54: {  	_ =	shalt  }
0x55: {  	_ =	shalt  }
0x56: {  	_ =	shalt  }
0x57: {  	_ =	shalt  }
0x58: {  	_ =	shalt  }
0x59: {  	_ =	shalt  }
0x5a: {  	_ =	shalt  }
0x5b: {  	_ =	shalt  }
0x5c: {  	_ =	shalt  }
0x5d: {  	_ =	shalt  }
0x5e: {  	_ =	shalt  }
0x5f: {  	_ =	shalt  }
0x60: {  	_ =	shalt  }
0x61: {  	_ =	shalt  }
0x62: {  	_ =	shalt  }
0x63: {  	_ =	shalt  }
0x64: {  	_ =	shalt  }
0x65: {  	_ =	shalt  }
0x66: {  	_ =	shalt  }
0x67: {  	_ =	shalt  }
0x68: {  	_ =	shalt  }
0x69: {  	_ =	shalt  }
0x6a: {  	_ =	shalt  }
0x6b: {  	_ =	shalt  }
0x6c: {  	_ =	shalt  }
0x6d: {  	_ =	shalt  }
0x6e: {  	_ =	shalt  }
0x6f: {  	_ =	shalt  }
0x70: {  	_ =	shalt  }
0x71: {  	_ =	shalt  }
0x72: {  	_ =	shalt  }
0x73: {  	_ =	shalt  }
0x74: {  	_ =	shalt  }
0x75: {  	_ =	shalt  }
0x76: {  	_ =	shalt  }
0x77: {  	_ =	shalt  }
0x78: {  	_ =	shalt  }
0x79: {  	_ =	shalt  }
0x7a: {  	_ =	shalt  }
0x7b: {  	_ =	shalt  }
0x7c: {  	_ =	shalt  }
0x7d: {  	_ =	shalt  }
0x7e: {  	_ =	shalt  }
0x7f: {  	_ =	shalt  }
0x80: {  	_ =	shalt  }
0x81: {  	_ =	shalt  }
0x82: {  	_ =	shalt  }
0x83: {  	_ =	shalt  }
0x84: {  	_ =	shalt  }
0x85: {  	_ =	shalt  }
0x86: {  	_ =	shalt  }
0x87: {  	_ =	shalt  }
.Lfunc_end0:
.L_simem_size_0:
called_computation_lowered:
.L_overlay_start_0:
0x88: {  	s2 =	sld [smem:$0x3FD9]  }
0x89: {  	s3 =	sld [smem:$0x3FFE];
	_ =	sdelay $0x1  }
0x8a: {  	s1 =	srdreg.scid  }
0x8b: {  	s0 =	sand.u32 $0x1, s1  }
0x8c: {  	s17 =	sshll.u32 s0, $0xA;
	s2 =	sadd.s32 s3, s2  }
0x8d: {  	s2 =	sadd.s32 s2, s17  }
0x8e: {  	[smem:$0x3FC2] =	sst s2  }
0x8f: {  	_ = 	snop  }
0x90: {  	s2 =	sld [smem:$0x3FC9]  }
0x91: {  	s18 =	sld [smem:$0x3FC8];
	(tm) =	ssettm $0x1  }
0x92: {  	s4 =	sld [smem:$0x3FFB];
	_ =	sdelay $0x3  }
0x93: {  	_ =	strace s4  }
0x94: {  	s4 =	sld [smem:$0x3FFC];
	_ =	sdelay $0x3  }
0x95: {  	_ =	strace s4  }
0x96: {  	s4 =	sld [smem:$0x3FFD];
	_ =	sdelay $0x3  }
0x97: {  	_ =	strace s4  }
0x98: {  	_ =	strace $0x8FFFFFFF  }
0x99: {  	s19 =	sld [smem:$0x3FDB];
	_ =	sdelay $0x1  }
0x9a: {  	s5 =	simm.s32 $_scs_section_size  }
0x9b: {  	s6 =	simm.s32 $_size__tile_overlayer_lowered;
	s7 =	simm.s32 $_tile_overlayer_lowered  }
0x9c: {  	s22 =	simm.s32 $0x1BFF;
	s21 =	sshll.u32 s7, $0x1;
	s4 =	sadd.s32 s5, s19  }
0x9d: {  	s8 =	simm.s32 $0x0;
	s20 =	sshll.u32 s6, $0x1;
	s6 =	sadd.s32 s21, s4  }
0x9e: {  	[timem:s8], [sflag:s22] =	dma.local [hbm:s6], s20  }
0x9f: {  	_ =	swait.ge [sflag:s22], s20  }
0xa0: {  	s5 =	ssub.s32 $0x0, s20;
	[sflag:s22] =	ssyncset.done $0x0  }
0xa1: {  	[sflag:s22] =	ssyncadd.s32 s5;
	_ =	sdelay $0x1  }
0xa2: {  	s23 =	simm.s32 $0x1B8B  }
0xa3: {  	_ =	swait.ge [sflag:s23], $0x1  }
0xa4: {  	[sflag:s23] =	ssyncset.done $0x0  }
0xa5: {  	s25 =	simm.s32 $0x1B8E;
	s24 =	sld [smem:$0x3FFE];
	[sflag:s23] =	ssyncadd.s32 $0xFFFFFFFF  }
0xa6: {  	s26 =	simm.s32 $execute0_lowered;
	[smem:$0x3FD2] =	sst s25  }
0xa7: {  	s6 =	sshll.u32 s26, $0x1;
	_ =	strace $0x80000046;
	[dreg:$0x1] =	wrdreg $0xFFFFFFFF  }
0xa8: {  	s28 =	simm.s32 $_size_execute0_lowered;
	s4 =	sadd.s32 s4, s6;
	[dreg:$0x0] =	wrdreg $0x0  }
0xa9: {  	s6 =	sshll.u32 s28, $0x1;
	[dreg:$0x2] =	wrdreg s4  }
0xaa: {  	[dreg:$0x3] =	wrdreg s6  }
0xab: {  	[dreg:$0x4] =	wrdreg $0xC0  }
0xac: {  	_ =	task [dreg:s8], $0x5FFFF  }
0xad: {  	[dreg:$0x1] =	wrdreg $0xFFFFFFFF  }
0xae: {  	[dreg:$0x0] =	wrdreg $0x60  }
0xaf: {  	[dreg:$0x2] =	wrdreg s2  }
0xb0: {  	[dreg:$0x3] =	wrdreg s18  }
0xb1: {  	[dreg:$0x4] =	wrdreg s24  }
0xb2: {  	[dreg:$0x5] =	wrdreg $0x9  }
0xb3: {  	_ =	task.clear_ibuf [dreg:s8], $0x6FFFF;
	_ =	strace $0x90000046  }
0xb4: {  	s29 =	simm.s32 $0x9;
	_ =	strace $0x80000048  }
0xb5: {  	_ =	swait.ge [sflag:s29], $0x1  }
0xb6: {  	[sflag:s29] =	ssyncadd.s32 $0xFFFFFFFF  }
0xb7: {  	_ =	strace $0x90000048  }
0xb8: {  	_ =	sfence  }
0xb9: {  	s30 =	sld [smem:$0x0];
	_ =	sdelay $0x2  }
0xba: {  	s31 =	sshll.u32 s1, $0xD;
	s1 =	sshrl.u32 s1, $0x2  }
0xbb: {  	s3 =	sand.u32 $0x4000, s31;
	s1 =	sadd.s32 s1, s30  }
0xbc: {  	s0 =	sor.u32 s3, s0;
	s1 =	sshll.u32 s1, $0x11  }
0xbd: {  	s0 =	sor.u32 s1, s0  }
0xbe: {  	s0 =	sadd.s32 $0x8F2B, s0  }
0xbf: {  	[sflag:s0] =	ssyncadd.remote.s32 $0x1  }
0xc0: {  	_ =	sfence.sel $0xFFFF  }
0xc1: {  	[dreg:$0x0] =	wrdreg $0xFFFFFFFF;
	(pc) =	sbr.abs _section_cstart, $3  }
0xc2: {  	[dreg:$0x1] =	wrdreg $0xFFFFFFFF  }
0xc3: {  	_ =	task.clear_ibuf [dreg:s8], $0x2FFFF;
	_ =	strace $0x9FFFFFFF  }
0xc4: {  	(tm) =	ssettm $0x7FFFFFFF  }
0xc5: {  	_ =	shalt  }
tec
execute0_lowered:
.L_overlay_start_1:
0x0: {  	(tag) =	ssettag $0x1  }
0x1: {  	s3 =	rddreg [dreg:$0x0];
	s1 =	srdreg.scid  }
0x2: {  	s5 =	rddreg [dreg:$0x1];
	s0 =	stileid.u32;
	s17 =	sand.u32 $0x1, s1  }
0x3: {  	s16 =	rddreg [dreg:$0x2];
	s4 =	sshll.u32 s0, $0xA;
	s6 =	sshll.u32 s17, $0x9  }
0x4: {  	s2 =	simm.s32 $0x0;
	s1 =	rddreg [dreg:$0x3];
	s12 =	sor.u32 s6, s4  }
0x5: {  	[smem:$0x7FF] =	sst s2;
	s6 =	sshrl.u32 s12, $0x3  }
0x6: {  	_ =	strace $0x80000047;
	s4 =	sadd.s32 s3, s6;
	s3 =	simm.s32 $0x3  }
0x7: {  	[tilespmem:s2], [sflag:$0x3] =	stream.linear.gather [hbm4b:s4+s2], $0x200, $0x38;
	[tilespmem:$0x10400] =	vst v63  }
0x8: {  	_ =	swait.ge [sflag:s3], $0x200  }
0x9: {  	[sflag:s3] =	ssyncset.done $0x0  }
0xa: {  	s5 =	sadd.s32 s5, s6;
	s6 =	simm.s32 $0x200;
	[sflag:s3] =	ssyncadd.s32 $0xFFFFFE00  }
0xb: {  	[tilespmem:s6], [sflag:$0x3] =	stream.linear.gather [hbm4b:s5+s2], $0x200, $0x38;
	[tilespmem:$0x10400] =	vst v63  }
0xc: {  	_ =	swait.ge [sflag:s3], $0x200  }
0xd: {  	s8 =	simm.s32 $0x100;
	[sflag:s3] =	ssyncset.done $0x0  }
0xe: {  	s9 =	simm.s32 $0x400;
	s7 =	sadd.s32 $0x30E200, s16;
	[sflag:s3] =	ssyncadd.s32 $0xFFFFFE00  }
0xf: {  	[tilespmem:s9], [sflag:$0x1] =	stream.indirect.gather [hbm4b:s7+s8], $0x80, s2, s8, $0xb8;
	[tilespmem:$0x10400] =	vst v63  }
0x10: {  	s10 =	simm.s32 $0x8400;
	s11 =	simm.s32 $0x1  }
0x11: {  	[tilespmem:s10], [sflag:$0x2] =	stream.indirect.gather [hbm4b:s7+s8], $0x80, s8, s8, $0xb8;
	[tilespmem:$0x10400] =	vst v63  }
0x12: {  	_ =	swait.ge [sflag:s11], $0x8000  }
0x13: {  	s14 =	sadd.s32 $0xE00, s16;
	s18 =	sshll.u32 s12, $0x4;
	[sflag:s11] =	ssyncset.done $0x0  }
0x14: {  	s12 =	sadd.s32 s14, s18;
	[sflag:s11] =	ssyncadd.s32 $0xFFFF8000  }
0x15: {  	[hbm4b:s12+s2] =	stream.linear.scatter [tilespmem:s9], [sflag:$0x3], $0x8000, $0x38;
	[tilespmem:$0x10400] =	vst v63  }
0x16: {  	_ =	swait.ge [sflag:s3], $0x8000  }
0x17: {  	[sflag:s3] =	ssyncset.done $0x0  }
0x18: {  	s13 =	simm.s32 $0x2;
	[sflag:s3] =	ssyncadd.s32 $0xFFFF8000  }
0x19: {  	[tilespmem:s9], [sflag:$0x1] =	stream.indirect.gather [hbm4b:s7+s8], $0x80, s6, s8, $0xb8;
	[tilespmem:$0x10400] =	vst v63  }
0x1a: {  	_ =	swait.ge [sflag:s13], $0x8000  }
0x1b: {  	s19 =	sor.u32 $0x1000, s18;
	[sflag:s13] =	ssyncset.done $0x0  }
0x1c: {  	s14 =	sadd.s32 s14, s19;
	[sflag:s13] =	ssyncadd.s32 $0xFFFF8000  }
0x1d: {  	[hbm4b:s14+s2] =	stream.linear.scatter [tilespmem:s10], [sflag:$0x3], $0x8000, $0x38;
	[tilespmem:$0x10400] =	vst v63  }
0x1e: {  	_ =	swait.ge [sflag:s3], $0x8000  }
0x1f: {  	[sflag:s3] =	ssyncset.done $0x0  }
0x20: {  	s15 =	simm.s32 $0x300;
	[sflag:s3] =	ssyncadd.s32 $0xFFFF8000  }
0x21: {  	[tilespmem:s10], [sflag:$0x2] =	stream.indirect.gather [hbm4b:s7+s8], $0x80, s15, s8, $0xb8;
	[tilespmem:$0x10400] =	vst v63  }
0x22: {  	_ =	swait.ge [sflag:s11], $0x8000  }
0x23: {  	s20 =	sadd.s32 $0x40E00, s16;
	[sflag:s11] =	ssyncset.done $0x0  }
0x24: {  	s17 =	ssub.s32 $0x2, s17;
	s16 =	sadd.s32 s20, s18;
	[sflag:s11] =	ssyncadd.s32 $0xFFFF8000  }
0x25: {  	[hbm4b:s16+s2] =	stream.linear.scatter [tilespmem:s9], [sflag:$0x3], $0x8000, $0x38;
	[tilespmem:$0x10400] =	vst v63  }
0x26: {  	s31 =	sshrl.u32 s17, $0x1;
	_ =	swait.ge [sflag:s3], $0x8000  }
0x27: {  	s18 =	ssub.s32 s17, s31;
	[sflag:s3] =	ssyncset.done $0x0  }
0x28: {  	s18 =	smax.u32 s18, $0x1;
	[sflag:s3] =	ssyncadd.s32 $0xFFFF8000  }
0x29: {  	p0 =	sne.s32 s18, $0x1;
	_ =	swait.ge [sflag:s13], $0x8000  }
.Ltmp0:
0x2a: {  	[sflag:s13] =	ssyncset.done $0x0;
	(pc) =	sbr.rel @!p0 .LBB2_2-.Ltmp0, $4  }
0x2b: {  	s17 =	sadd.s32 s20, s19;
	[sflag:s13] =	ssyncadd.s32 $0xFFFF8000  }
0x2c: {  	[hbm4b:s17+s2] =	stream.linear.scatter [tilespmem:s10], [sflag:$0x3], $0x8000, $0x38;
	[tilespmem:$0x10400] =	vst v63  }
0x2d: {  	_ =	swait.ge [sflag:s3], $0x8000  }
0x2e: {  	s18 =	sadd.s32 $0xFFFFFFFF, s18;
	[sflag:s3] =	ssyncset.done $0x0  }
.LBB2_1:
0x2f: {  	p0 =	sne.s32 s18, $0x1;
	s18 =	sadd.s32 $0xFFFFFFFF, s18;
	[sflag:s3] =	ssyncadd.s32 $0xFFFF8000  }
0x30: {  	[tilespmem:s2], [sflag:$0x3] =	stream.linear.gather [hbm4b:s4+s2], $0x200, $0x38;
	[tilespmem:$0x10400] =	vst v63  }
0x31: {  	_ =	swait.ge [sflag:s3], $0x200  }
0x32: {  	[sflag:s3] =	ssyncset.done $0x0  }
0x33: {  	[sflag:s3] =	ssyncadd.s32 $0xFFFFFE00  }
0x34: {  	[tilespmem:s6], [sflag:$0x3] =	stream.linear.gather [hbm4b:s5+s2], $0x200, $0x38;
	[tilespmem:$0x10400] =	vst v63  }
0x35: {  	_ =	swait.ge [sflag:s3], $0x200  }
0x36: {  	[sflag:s3] =	ssyncset.done $0x0  }
0x37: {  	[sflag:s3] =	ssyncadd.s32 $0xFFFFFE00  }
0x38: {  	[tilespmem:s9], [sflag:$0x1] =	stream.indirect.gather [hbm4b:s7+s8], $0x80, s2, s8, $0xb8;
	[tilespmem:$0x10400] =	vst v63  }
0x39: {  	_ = 	snop  }
0x3a: {  	[tilespmem:s10], [sflag:$0x2] =	stream.indirect.gather [hbm4b:s7+s8], $0x80, s8, s8, $0xb8;
	[tilespmem:$0x10400] =	vst v63  }
0x3b: {  	_ =	swait.ge [sflag:s11], $0x8000  }
0x3c: {  	[sflag:s11] =	ssyncset.done $0x0  }
0x3d: {  	[sflag:s11] =	ssyncadd.s32 $0xFFFF8000  }
0x3e: {  	[hbm4b:s12+s2] =	stream.linear.scatter [tilespmem:s9], [sflag:$0x3], $0x8000, $0x38;
	[tilespmem:$0x10400] =	vst v63  }
0x3f: {  	_ =	swait.ge [sflag:s3], $0x8000  }
0x40: {  	[sflag:s3] =	ssyncset.done $0x0  }
0x41: {  	[sflag:s3] =	ssyncadd.s32 $0xFFFF8000  }
0x42: {  	[tilespmem:s9], [sflag:$0x1] =	stream.indirect.gather [hbm4b:s7+s8], $0x80, s6, s8, $0xb8;
	[tilespmem:$0x10400] =	vst v63  }
0x43: {  	_ =	swait.ge [sflag:s13], $0x8000  }
0x44: {  	[sflag:s13] =	ssyncset.done $0x0  }
0x45: {  	[sflag:s13] =	ssyncadd.s32 $0xFFFF8000  }
0x46: {  	[hbm4b:s14+s2] =	stream.linear.scatter [tilespmem:s10], [sflag:$0x3], $0x8000, $0x38;
	[tilespmem:$0x10400] =	vst v63  }
0x47: {  	_ =	swait.ge [sflag:s3], $0x8000  }
0x48: {  	[sflag:s3] =	ssyncset.done $0x0  }
0x49: {  	[sflag:s3] =	ssyncadd.s32 $0xFFFF8000  }
0x4a: {  	[tilespmem:s10], [sflag:$0x2] =	stream.indirect.gather [hbm4b:s7+s8], $0x80, s15, s8, $0xb8;
	[tilespmem:$0x10400] =	vst v63  }
0x4b: {  	_ =	swait.ge [sflag:s11], $0x8000  }
0x4c: {  	[sflag:s11] =	ssyncset.done $0x0  }
0x4d: {  	[sflag:s11] =	ssyncadd.s32 $0xFFFF8000  }
0x4e: {  	[hbm4b:s16+s2] =	stream.linear.scatter [tilespmem:s9], [sflag:$0x3], $0x8000, $0x38;
	[tilespmem:$0x10400] =	vst v63  }
0x4f: {  	_ =	swait.ge [sflag:s3], $0x8000  }
0x50: {  	[sflag:s3] =	ssyncset.done $0x0  }
0x51: {  	[sflag:s3] =	ssyncadd.s32 $0xFFFF8000  }
0x52: {  	_ =	swait.ge [sflag:s13], $0x8000  }
.Ltmp1:
0x53: {  	[sflag:s13] =	ssyncset.done $0x0;
	(pc) =	sbr.rel @p0 .LBB2_1-.Ltmp1, $4  }
0x54: {  	[sflag:s13] =	ssyncadd.s32 $0xFFFF8000  }
0x55: {  	[hbm4b:s17+s2] =	stream.linear.scatter [tilespmem:s10], [sflag:$0x3], $0x8000, $0x38;
	[tilespmem:$0x10400] =	vst v63  }
0x56: {  	_ =	swait.ge [sflag:s3], $0x8000  }
0x57: {  	[sflag:s3] =	ssyncset.done $0x0  }
.LBB2_2:
0x58: {  	[sflag:s3] =	ssyncadd.s32 $0xFFFF8000  }
0x59: {  	_ =	sfence.sel $0x180000  }
0x5a: {  	[bflag:$0x0] =	sbarrier.arrive $0xFFFF  }
0x5b: {  	p0 =	sne.s32 s0, $0x0;
	_ =	strace $0x90000047  }
0x5c: {  	s0 =	sadd.s32 @!p0 $0x100000, s1;
	[bflag:$0x2] =	sbarrier.arrive $0xFFFF  }
0x5d: {  	[sflag:s0] =	ssyncadd.tile.s32 @!p0 $0x1;
	_ =	shalt  }
.Lfunc_end2:
_tile_overlayer_lowered:
.L_overlay_start_2:
0x5e: {  	(tag) =	ssettag $0x2  }
0x5f: {  	s0 =	rddreg [dreg:$0x0];
	s2 =	stileid.u32  }
0x60: {  	s1 =	rddreg [dreg:$0x1];
	p0 =	sne.s32 s2, $0x0  }
0x61: {  	s3 =	rddreg [dreg:$0x2];
	[bflag:$0x3] =	sbarrier.arrive $0xFFFF;
	s2 =	simm.s32 @!p0 $0x1C03  }
0x62: {  	[timem:s3], [sflag:s2] =	dma.local @!p0 [hbm:s0], s1  }
0x63: {  	s0 =	simm.s32 @!p0 $0x3  }
0x64: {  	_ =	swait.ge @!p0 [sflag:s0], s1  }
0x65: {  	s1 =	ssub.s32 @!p0 $0x0, s1;
	[sflag:s0] =	ssyncset.done @!p0 $0x0  }
0x66: {  	[sflag:s0] =	ssyncadd.s32 @!p0 s1  }
0x67: {  	[bflag:$0x3] =	sbarrier.arrive $0xFFFF  }
0x68: {  	_ =	shalt  }

</sc_bundles>
